<compile_context>
chip_gen: v7x
topology: tpu7x:2x2x1
jax: 0.10.2.dev20260603
libtpu: 0.0.44.dev20260713+nightly
codegen_flags: <defaults>
</compile_context>

<pallas_src>
import functools

import jax
import jax.numpy as jnp
from jax import lax
from jax.experimental import pallas as pl
from jax.experimental.pallas import tpu as pltpu
from jax.experimental.pallas import tpu_sc as plsc

B = 32
L = 40
H = 768
V = 30522
IMG = 384
P = 32
PD = IMG // P
NP = PD * PD
K = 3 * P * P
SEQ = L + NP + 1

_NW = 32
_BPW = (B * L) // _NW


@functools.lru_cache(maxsize=1)
def _make_sc_gather():
    @functools.partial(
        pl.kernel,
        out_type=jax.ShapeDtypeStruct((B * L, H), jnp.float32),
        mesh=plsc.VectorSubcoreMesh(core_axis_name="c", subcore_axis_name="s"),
        scratch_types=[
            pltpu.VMEM((_BPW,), jnp.int32),
            pltpu.VMEM((_BPW, H), jnp.float32),
            pltpu.SemaphoreType.DMA,
        ],
    )
    def _sc_gather(table_hbm, idx_hbm, out_hbm, idx_v, rows_v, sem):
        wid = lax.axis_index("s") * 2 + lax.axis_index("c")
        base = wid * _BPW
        pltpu.sync_copy(idx_hbm.at[pl.ds(base, _BPW)], idx_v)
        pltpu.async_copy(table_hbm.at[idx_v], rows_v, sem).wait()
        pltpu.sync_copy(rows_v, out_hbm.at[pl.ds(base, _BPW)])

    return _sc_gather


_GB = 1

_PERM = (1, 3, 0, 2, 4)
_WPERM = (1, 2, 3, 0)


def _tc_body(text_ref, ttf_ref, pos_ref, tt_ref, g_ref, b_ref,
             cls_ref, vpos_ref, mod_ref, px_ref, w_ref, cb_ref, out_ref):
    mod0 = mod_ref[0:1, :]
    mod1 = mod_ref[1:2, :]
    tt0 = tt_ref[0:1, :]
    tt1 = tt_ref[1:2, :]
    x = text_ref[...] + pos_ref[...]
    t = ttf_ref[0]
    x = x + tt0 + t * (tt1 - tt0)
    m = jnp.mean(x, axis=-1, keepdims=True)
    xc = x - m
    v = jnp.mean(xc * xc, axis=-1, keepdims=True)
    x = xc * lax.rsqrt(v + 1e-12) * g_ref[...] + b_ref[...]
    out_ref[0, 0:L] = x + mod0
    px = px_ref[0]
    a = px.astype(jnp.bfloat16).reshape(3, PD, P, PD, P)
    a = a.transpose(_PERM).reshape(NP, K)
    acc = jnp.dot(a, w_ref[...], preferred_element_type=jnp.float32)
    vis = acc + cb_ref[...] + vpos_ref[1:NP + 1, :] + mod1
    out_ref[0, L:L + 1] = cls_ref[...] + vpos_ref[0:1, :] + mod1
    out_ref[0, L + 1:SEQ] = vis


def kernel(input_ids, attention_mask, token_type_ids, pixel_values, pixel_mask,
           word_emb, pos_text_emb, tt_text_emb, ln_gamma, ln_beta, cls_token,
           vis_pos_emb, modality_emb, conv_w, conv_b):
    wmat = conv_w.transpose(_WPERM).reshape(K, H).astype(jnp.bfloat16)

    gathered = _make_sc_gather()(word_emb, input_ids.reshape(-1))

    emb = pl.pallas_call(
        _tc_body,
        grid=(B,),
        in_specs=[
            pl.BlockSpec((L, H), lambda b: (b, 0)),
            pl.BlockSpec((1, L, 1), lambda b: (b, 0, 0)),
            pl.BlockSpec((L, H), lambda b: (0, 0)),
            pl.BlockSpec((2, H), lambda b: (0, 0)),
            pl.BlockSpec((1, H), lambda b: (0, 0)),
            pl.BlockSpec((1, H), lambda b: (0, 0)),
            pl.BlockSpec((1, H), lambda b: (0, 0)),
            pl.BlockSpec((NP + 1, H), lambda b: (0, 0)),
            pl.BlockSpec((2, H), lambda b: (0, 0)),
            pl.BlockSpec((1, 3, IMG, IMG), lambda b: (b, 0, 0, 0)),
            pl.BlockSpec((K, H), lambda b: (0, 0)),
            pl.BlockSpec((1, H), lambda b: (0, 0)),
        ],
        out_specs=pl.BlockSpec((1, SEQ, H), lambda b: (b, 0, 0)),
        out_shape=jax.ShapeDtypeStruct((B, SEQ, H), jnp.float32),
        compiler_params=pltpu.CompilerParams(
            dimension_semantics=("arbitrary",),
        ),
    )(gathered, token_type_ids.astype(jnp.float32).reshape(B, L, 1),
      pos_text_emb, tt_text_emb, ln_gamma.reshape(1, H),
      ln_beta.reshape(1, H), cls_token.reshape(1, H),
      vis_pos_emb.reshape(NP + 1, H), modality_emb, pixel_values, wmat,
      conv_b.reshape(1, H))

    masks = jnp.concatenate(
        [attention_mask,
         jnp.ones((B, NP + 1), dtype=attention_mask.dtype)], axis=1)
    return (emb, masks)

# --- scband reference (transcript-rebuilt; emitter-appended) ---
"""Pipeline reference for scband-vilt-embeddings-76605036692251 (READ-ONLY COPY).

The authoritative reference and input builder live on the scoring server;
editing this copy changes nothing except your own understanding.
"""

import jax, jax.numpy as jnp
import numpy as np

B = 32
L = 40
H = 768
V = 30522
IMG = 384
P = 32
PD = IMG // P
NP = PD * PD

def layer_norm(x, g, b, eps=1e-12):
    m = jnp.mean(x, axis=-1, keepdims=True)
    v = jnp.var(x, axis=-1, keepdims=True)
    return (x - m) / jnp.sqrt(v + eps) * g + b

def setup_inputs(seed: int = 0):
    key = jax.random.key(seed)
    ks = jax.random.split(key, 16)
    inp = {}
    inp["input_ids"] = jax.random.randint(ks[0], (B, L), 0, V, dtype=jnp.int32)
    inp["attention_mask"] = jnp.ones((B, L), dtype=jnp.int32)
    inp["token_type_ids"] = jnp.zeros((B, L), dtype=jnp.int32)
    inp["pixel_values"] = jax.random.normal(ks[1], (B, 3, IMG, IMG), dtype=jnp.float32)
    inp["pixel_mask"] = jnp.ones((B, IMG, IMG), dtype=jnp.int32)
    inp["word_emb"] = jax.random.normal(ks[2], (V, H), dtype=jnp.float32) * 0.02
    inp["pos_text_emb"] = jax.random.normal(ks[3], (L, H), dtype=jnp.float32) * 0.02
    inp["tt_text_emb"] = jax.random.normal(ks[4], (2, H), dtype=jnp.float32) * 0.02
    inp["ln_gamma"] = jnp.ones((H,), dtype=jnp.float32)
    inp["ln_beta"] = jnp.zeros((H,), dtype=jnp.float32)
    inp["cls_token"] = jax.random.normal(ks[5], (1, 1, H), dtype=jnp.float32) * 0.02
    inp["vis_pos_emb"] = jax.random.normal(ks[6], (1, NP + 1, H), dtype=jnp.float32) * 0.02
    inp["modality_emb"] = jax.random.normal(ks[7], (2, H), dtype=jnp.float32) * 0.02
    inp["conv_w"] = jax.random.normal(ks[8], (H, 3, P, P), dtype=jnp.float32) * 0.02
    inp["conv_b"] = jnp.zeros((H,), dtype=jnp.float32)
    return inp

def reference(input_ids, attention_mask, token_type_ids, pixel_values, pixel_mask, word_emb, pos_text_emb, tt_text_emb, ln_gamma, ln_beta, cls_token, vis_pos_emb, modality_emb, conv_w, conv_b):
    # ---- text embeddings (BERT-style) + modality type 0 ----
    text = jnp.take(word_emb, input_ids, axis=0) + pos_text_emb[None, :, :] + jnp.take(tt_text_emb, token_type_ids, axis=0)
    text = layer_norm(text, ln_gamma, ln_beta)
    text = text + modality_emb[0][None, None, :]
    # ---- visual embeddings: patch conv projection ----
    x = jax.lax.conv_general_dilated(pixel_values, conv_w, (P, P), 'VALID', dimension_numbers=('NCHW', 'OIHW', 'NCHW')) + conv_b[None, :, None, None]
    Bv, C, h, w = x.shape
    x = x.reshape(Bv, C, h * w).transpose(0, 2, 1)
    # pixel_mask is all ones: interpolation of spatial pos-embed to (h,w)==(PD,PD) is identity,
    # every patch is valid, and the multinomial permutation is replaced by identity ordering
    pos = jnp.broadcast_to(vis_pos_emb[:, 1:, :], (Bv, h * w, C))
    cls = jnp.broadcast_to(cls_token, (Bv, 1, C))
    x = jnp.concatenate([cls, x], axis=1)
    pos_full = jnp.concatenate([jnp.broadcast_to(vis_pos_emb[:, :1, :], (Bv, 1, C)), pos], axis=1)
    x = x + pos_full
    x = x + modality_emb[1][None, None, :]
    img_masks = jnp.ones((Bv, h * w + 1), dtype=attention_mask.dtype)
    emb = jnp.concatenate([text, x], axis=1)
    masks = jnp.concatenate([attention_mask, img_masks], axis=1)
    return (emb, masks)

if __name__ == "__main__":
    import jax
    _d = setup_inputs()
    print(jax.jit(kernel)(*tuple(_d.values())))

</pallas_src>

<mosaic_0001>
#map = affine_map<(d0, d1) -> (0, 0)>
#map1 = affine_map<(d0, d1) -> (0)>
module attributes {stable_mosaic.version = 14 : i64} {
  func.func @_sc_gather(%arg0: i32, %arg1: i32, %arg2: memref<30522x768xf32, #tpu.memory_space<hbm>>, %arg3: memref<1280xi32, #tpu.memory_space<hbm>>, %arg4: memref<1280x768xf32, #tpu.memory_space<hbm>>, %arg5: memref<40xi32, #tpu.memory_space<vmem>>, %arg6: memref<40x768xf32, #tpu.memory_space<vmem>>, %arg7: memref<!tpu.dma_semaphore, #tpu.memory_space<semaphore_mem>>) attributes {dimension_semantics = [#tpu.dimension_semantics<core_parallel>, #tpu.dimension_semantics<subcore_parallel>], iteration_bounds = array<i64: 2, 16>, scalar_prefetch = 0 : i64, scratch_operands = 3 : i64, tpu.core_type = #tpu.core_type<sc_vector_subcore>, window_params = [{transform_indices = #map}, {transform_indices = #map1}, {transform_indices = #map}]} {
    %mul3A = arith.constant 2 : i32
    %mul3A_0 = arith.muli %arg1, %mul3A : i32
    %add3A = arith.addi %mul3A_0, %arg0 : i32
    %mul3A_1 = arith.constant 40 : i32
    %mul3A_2 = arith.muli %add3A, %mul3A_1 : i32
    "tpu.region"() ({
      %run_scoped3A = tpu.sem_alloc : memref<!tpu.dma_semaphore, #tpu.memory_space<semaphore_mem>>
      %dma_start3A_7 = tpu.memref_slice %arg3[%mul3A_2] : memref<1280xi32, #tpu.memory_space<hbm>> -> memref<40xi32, #tpu.memory_space<hbm>>
      %dma_start3A_8 = tpu.memref_slice %arg3[%mul3A_2] : memref<1280xi32, #tpu.memory_space<hbm>> -> memref<40xi32, #tpu.memory_space<hbm>>
      tpu.enqueue_dma source(%dma_start3A_8 : memref<40xi32, #tpu.memory_space<hbm>>) target(%arg5 : memref<40xi32, #tpu.memory_space<vmem>>) target_semaphore(%run_scoped3A : memref<!tpu.dma_semaphore, #tpu.memory_space<semaphore_mem>>)
      %dma_wait3A_9 = tpu.memref_slice %arg3[%mul3A_2] : memref<1280xi32, #tpu.memory_space<hbm>> -> memref<40xi32, #tpu.memory_space<hbm>>
      %dma_wait3A_10 = tpu.memref_slice %arg3[%mul3A_2] : memref<1280xi32, #tpu.memory_space<hbm>> -> memref<40xi32, #tpu.memory_space<hbm>>
      tpu.wait_dma2 semaphore(%run_scoped3A : memref<!tpu.dma_semaphore, #tpu.memory_space<semaphore_mem>>) src(%dma_wait3A_10 : memref<40xi32, #tpu.memory_space<hbm>>) dst(%arg5 : memref<40xi32, #tpu.memory_space<vmem>>)
      tpu.yield
    }) : () -> ()
    %dma_start3A = arith.constant 0 : i32
    %dma_start3A_3 = arith.constant 0 : i32
    %dma_start3A_4 = tpu.memref_slice %arg2[%dma_start3A, %dma_start3A_3] : memref<30522x768xf32, #tpu.memory_space<hbm>> -> memref<30522x768xf32, #tpu.memory_space<hbm>>
    tpu.enqueue_indirect_dma source(%dma_start3A_4 : memref<30522x768xf32, #tpu.memory_space<hbm>>) target(%arg6 : memref<40x768xf32, #tpu.memory_space<vmem>>) offsets(%arg5 : memref<40xi32, #tpu.memory_space<vmem>>) semaphore(%arg7 : memref<!tpu.dma_semaphore, #tpu.memory_space<semaphore_mem>>)
    %dma_wait3A = arith.constant 0 : i32
    %dma_wait3A_5 = arith.constant 0 : i32
    %dma_wait3A_6 = tpu.memref_slice %arg2[%dma_wait3A, %dma_wait3A_5] : memref<30522x768xf32, #tpu.memory_space<hbm>> -> memref<30522x768xf32, #tpu.memory_space<hbm>>
    tpu.wait_indirect_dma semaphore(%arg7 : memref<!tpu.dma_semaphore, #tpu.memory_space<semaphore_mem>>) src(%dma_wait3A_6 : memref<30522x768xf32, #tpu.memory_space<hbm>>) dst(%arg6 : memref<40x768xf32, #tpu.memory_space<vmem>>)
    "tpu.region"() ({
      %run_scoped3A = tpu.sem_alloc : memref<!tpu.dma_semaphore, #tpu.memory_space<semaphore_mem>>
      %dma_start3A_7 = arith.constant 0 : i32
      %dma_start3A_8 = tpu.memref_slice %arg4[%mul3A_2, %dma_start3A_7] : memref<1280x768xf32, #tpu.memory_space<hbm>> -> memref<40x768xf32, #tpu.memory_space<hbm>>
      %dma_start3A_9 = arith.constant 0 : i32
      %dma_start3A_10 = tpu.memref_slice %arg4[%mul3A_2, %dma_start3A_9] : memref<1280x768xf32, #tpu.memory_space<hbm>> -> memref<40x768xf32, #tpu.memory_space<hbm>>
      tpu.enqueue_dma source(%arg6 : memref<40x768xf32, #tpu.memory_space<vmem>>) target(%dma_start3A_10 : memref<40x768xf32, #tpu.memory_space<hbm>>) target_semaphore(%run_scoped3A : memref<!tpu.dma_semaphore, #tpu.memory_space<semaphore_mem>>)
      %dma_wait3A_11 = arith.constant 0 : i32
      %dma_wait3A_12 = tpu.memref_slice %arg4[%mul3A_2, %dma_wait3A_11] : memref<1280x768xf32, #tpu.memory_space<hbm>> -> memref<40x768xf32, #tpu.memory_space<hbm>>
      %dma_wait3A_13 = arith.constant 0 : i32
      %dma_wait3A_14 = tpu.memref_slice %arg4[%mul3A_2, %dma_wait3A_13] : memref<1280x768xf32, #tpu.memory_space<hbm>> -> memref<40x768xf32, #tpu.memory_space<hbm>>
      tpu.wait_dma2 semaphore(%run_scoped3A : memref<!tpu.dma_semaphore, #tpu.memory_space<semaphore_mem>>) src(%arg6 : memref<40x768xf32, #tpu.memory_space<vmem>>) dst(%dma_wait3A_14 : memref<40x768xf32, #tpu.memory_space<hbm>>)
      tpu.yield
    }) : () -> ()
    return
  }
}

module attributes {stable_mosaic.version = 14 : i64} {
  func.func @_tc_body(%arg0: i32, %arg1: memref<40x768xf32, #tpu.memory_space<vmem>>, %arg2: memref<1x40x1xf32, #tpu.memory_space<vmem>>, %arg3: memref<40x768xf32, #tpu.memory_space<vmem>>, %arg4: memref<2x768xf32, #tpu.memory_space<vmem>>, %arg5: memref<1x768xf32, #tpu.memory_space<vmem>>, %arg6: memref<1x768xf32, #tpu.memory_space<vmem>>, %arg7: memref<1x768xf32, #tpu.memory_space<vmem>>, %arg8: memref<145x768xf32, #tpu.memory_space<vmem>>, %arg9: memref<2x768xf32, #tpu.memory_space<vmem>>, %arg10: memref<1x3x384x384xf32, #tpu.memory_space<vmem>>, %arg11: memref<3072x768xbf16, #tpu.memory_space<vmem>>, %arg12: memref<1x768xf32, #tpu.memory_space<vmem>>, %arg13: memref<1x185x768xf32, #tpu.memory_space<vmem>>) attributes {dimension_semantics = [#tpu.dimension_semantics<arbitrary>], iteration_bounds = array<i64: 32>, scalar_prefetch = 0 : i64, scratch_operands = 0 : i64, tpu.core_type = #tpu.core_type<tc>, window_params = [{transform_indices = @transform_0, window_bounds = array<i64: 40, 768>}, {transform_indices = @transform_1, window_bounds = array<i64: 1, 40, 1>}, {pipeline_mode = #tpu.pipeline_mode<synchronous>, transform_indices = @transform_2, window_bounds = array<i64: 40, 768>}, {pipeline_mode = #tpu.pipeline_mode<synchronous>, transform_indices = @transform_3, window_bounds = array<i64: 2, 768>}, {pipeline_mode = #tpu.pipeline_mode<synchronous>, transform_indices = @transform_4, window_bounds = array<i64: 1, 768>}, {pipeline_mode = #tpu.pipeline_mode<synchronous>, transform_indices = @transform_5, window_bounds = array<i64: 1, 768>}, {pipeline_mode = #tpu.pipeline_mode<synchronous>, transform_indices = @transform_6, window_bounds = array<i64: 1, 768>}, {pipeline_mode = #tpu.pipeline_mode<synchronous>, transform_indices = @transform_7, window_bounds = array<i64: 145, 768>}, {pipeline_mode = #tpu.pipeline_mode<synchronous>, transform_indices = @transform_8, window_bounds = array<i64: 2, 768>}, {transform_indices = @transform_9, window_bounds = array<i64: 1, 3, 384, 384>}, {pipeline_mode = #tpu.pipeline_mode<synchronous>, transform_indices = @transform_10, window_bounds = array<i64: 3072, 768>}, {pipeline_mode = #tpu.pipeline_mode<synchronous>, transform_indices = @transform_11, window_bounds = array<i64: 1, 768>}, {transform_indices = @transform_12, window_bounds = array<i64: 1, 185, 768>}]} {
    %get3A = arith.constant 0 : index
    %get3A_0 = arith.constant 0 : index
    %get3A_1 = vector.load %arg9[%get3A, %get3A_0] : memref<2x768xf32, #tpu.memory_space<vmem>>, vector<1x768xf32>
    %get3A_2 = arith.constant 1 : index
    %get3A_3 = arith.constant 0 : index
    %get3A_4 = vector.load %arg9[%get3A_2, %get3A_3] : memref<2x768xf32, #tpu.memory_space<vmem>>, vector<1x768xf32>
    %get3A_5 = arith.constant 0 : index
    %get3A_6 = arith.constant 0 : index
    %get3A_7 = vector.load %arg4[%get3A_5, %get3A_6] : memref<2x768xf32, #tpu.memory_space<vmem>>, vector<1x768xf32>
    %get3A_8 = arith.constant 1 : index
    %get3A_9 = arith.constant 0 : index
    %get3A_10 = vector.load %arg4[%get3A_8, %get3A_9] : memref<2x768xf32, #tpu.memory_space<vmem>>, vector<1x768xf32>
    %get3A_11 = arith.constant 0 : index
    %get3A_12 = arith.constant 0 : index
    %get3A_13 = vector.load %arg1[%get3A_11, %get3A_12] : memref<40x768xf32, #tpu.memory_space<vmem>>, vector<40x768xf32>
    %get3A_14 = arith.constant 0 : index
    %get3A_15 = arith.constant 0 : index
    %get3A_16 = vector.load %arg3[%get3A_14, %get3A_15] : memref<40x768xf32, #tpu.memory_space<vmem>>, vector<40x768xf32>
    %add3A = arith.addf %get3A_13, %get3A_16 : vector<40x768xf32>
    %get3A_17 = arith.constant 0 : index
    %get3A_18 = arith.constant 0 : index
    %get3A_19 = arith.constant 0 : index
    %get3A_20 = vector.load %arg2[%get3A_17, %get3A_18, %get3A_19] : memref<1x40x1xf32, #tpu.memory_space<vmem>>, vector<1x40x1xf32>
    %get3A_21 = vector.shape_cast %get3A_20 : vector<1x40x1xf32> to vector<40x1xf32>
    %add3A_22 = vector.broadcast %get3A_7 : vector<1x768xf32> to vector<40x768xf32>
    %add3A_23 = arith.addf %add3A, %add3A_22 : vector<40x768xf32>
    %sub3A = arith.subf %get3A_10, %get3A_7 : vector<1x768xf32>
    %mul3A = vector.broadcast %get3A_21 : vector<40x1xf32> to vector<40x768xf32>
    %mul3A_24 = vector.broadcast %sub3A : vector<1x768xf32> to vector<40x768xf32>
    %mul3A_25 = arith.mulf %mul3A, %mul3A_24 : vector<40x768xf32>
    %add3A_26 = arith.addf %add3A_23, %mul3A_25 : vector<40x768xf32>
    %reduce_sum3A = arith.constant dense<0.000000e+00> : vector<40xf32>
    %reduce_sum3A_27 = vector.multi_reduction <add>, %add3A_26, %reduce_sum3A [1] : vector<40x768xf32> to vector<40xf32>
    %broadcast_in_dim3A = vector.shape_cast %reduce_sum3A_27 : vector<40xf32> to vector<40x1xf32>
    %div3A = arith.constant 7.680000e+02 : f32
    %div3A_28 = vector.broadcast %div3A : f32 to vector<40x1xf32>
    %div3A_29 = arith.divf %broadcast_in_dim3A, %div3A_28 : vector<40x1xf32>
    %sub3A_30 = vector.broadcast %div3A_29 : vector<40x1xf32> to vector<40x768xf32>
    %sub3A_31 = arith.subf %add3A_26, %sub3A_30 : vector<40x768xf32>
    %mul3A_32 = arith.mulf %sub3A_31, %sub3A_31 : vector<40x768xf32>
    %reduce_sum3A_33 = arith.constant dense<0.000000e+00> : vector<40xf32>
    %reduce_sum3A_34 = vector.multi_reduction <add>, %mul3A_32, %reduce_sum3A_33 [1] : vector<40x768xf32> to vector<40xf32>
    %broadcast_in_dim3A_35 = vector.shape_cast %reduce_sum3A_34 : vector<40xf32> to vector<40x1xf32>
    %div3A_36 = arith.constant 7.680000e+02 : f32
    %div3A_37 = vector.broadcast %div3A_36 : f32 to vector<40x1xf32>
    %div3A_38 = arith.divf %broadcast_in_dim3A_35, %div3A_37 : vector<40x1xf32>
    %add3A_39 = arith.constant 9.99999996E-13 : f32
    %add3A_40 = vector.broadcast %add3A_39 : f32 to vector<40x1xf32>
    %add3A_41 = arith.addf %div3A_38, %add3A_40 : vector<40x1xf32>
    %rsqrt3A = math.rsqrt %add3A_41 : vector<40x1xf32>
    %mul3A_42 = vector.broadcast %rsqrt3A : vector<40x1xf32> to vector<40x768xf32>
    %mul3A_43 = arith.mulf %sub3A_31, %mul3A_42 : vector<40x768xf32>
    %get3A_44 = arith.constant 0 : index
    %get3A_45 = arith.constant 0 : index
    %get3A_46 = vector.load %arg5[%get3A_44, %get3A_45] : memref<1x768xf32, #tpu.memory_space<vmem>>, vector<1x768xf32>
    %mul3A_47 = vector.broadcast %get3A_46 : vector<1x768xf32> to vector<40x768xf32>
    %mul3A_48 = arith.mulf %mul3A_43, %mul3A_47 : vector<40x768xf32>
    %get3A_49 = arith.constant 0 : index
    %get3A_50 = arith.constant 0 : index
    %get3A_51 = vector.load %arg6[%get3A_49, %get3A_50] : memref<1x768xf32, #tpu.memory_space<vmem>>, vector<1x768xf32>
    %add3A_52 = vector.broadcast %get3A_51 : vector<1x768xf32> to vector<40x768xf32>
    %add3A_53 = arith.addf %mul3A_48, %add3A_52 : vector<40x768xf32>
    %add3A_54 = vector.broadcast %get3A_1 : vector<1x768xf32> to vector<40x768xf32>
    %add3A_55 = arith.addf %add3A_53, %add3A_54 : vector<40x768xf32>
    %swap3A = arith.constant 0 : index
    %swap3A_56 = arith.constant 0 : index
    %swap3A_57 = arith.constant 0 : index
    %swap3A_58 = vector.load %arg13[%swap3A, %swap3A_56, %swap3A_57] : memref<1x185x768xf32, #tpu.memory_space<vmem>>, vector<1x40x768xf32>
    %swap3A_59 = vector.shape_cast %swap3A_58 : vector<1x40x768xf32> to vector<40x768xf32>
    %swap3A_60 = vector.shape_cast %add3A_55 : vector<40x768xf32> to vector<1x40x768xf32>
    tpu.vector_store %arg13[%swap3A, %swap3A_56, %swap3A_57], %swap3A_60 {strides = array<i32>} : memref<1x185x768xf32, #tpu.memory_space<vmem>>, vector<1x40x768xf32>,
    %get3A_61 = arith.constant 0 : index
    %get3A_62 = arith.constant 0 : index
    %get3A_63 = arith.constant 0 : index
    %get3A_64 = arith.constant 0 : index
    %get3A_65 = vector.load %arg10[%get3A_61, %get3A_62, %get3A_63, %get3A_64] : memref<1x3x384x384xf32, #tpu.memory_space<vmem>>, vector<1x3x384x384xf32>
    %get3A_66 = vector.shape_cast %get3A_65 : vector<1x3x384x384xf32> to vector<3x384x384xf32>
    %convert_element_type3A = arith.truncf %get3A_66 : vector<3x384x384xf32> to vector<3x384x384xbf16>
    %reshape3A = vector.shape_cast %convert_element_type3A : vector<3x384x384xbf16> to vector<3x12x32x12x32xbf16>
    %transpose3A = tpu.transpose %reshape3A, [1, 3, 0, 2, 4] : vector<3x12x32x12x32xbf16> -> vector<12x12x3x32x32xbf16>
    %reshape3A_67 = vector.shape_cast %transpose3A : vector<12x12x3x32x32xbf16> to vector<144x3072xbf16>
    %get3A_68 = arith.constant 0 : index
    %get3A_69 = arith.constant 0 : index
    %get3A_70 = vector.load %arg11[%get3A_68, %get3A_69] : memref<3072x768xbf16, #tpu.memory_space<vmem>>, vector<3072x768xbf16>
    %dot_general3A = arith.constant dense<0.000000e+00> : vector<144x768xf32>
    %dot_general3A_71 = tpu.matmul %reshape3A_67, %get3A_70, %dot_general3A {dimension_numbers = #tpu.dot_dimension_numbers<[1], [0], [0], [1], [0, 0, 1, 1], [], []>, transpose_lhs_hint = false} : vector<144x3072xbf16>, vector<3072x768xbf16>, vector<144x768xf32> -> vector<144x768xf32>
    %get3A_72 = arith.constant 0 : index
    %get3A_73 = arith.constant 0 : index
    %get3A_74 = vector.load %arg12[%get3A_72, %get3A_73] : memref<1x768xf32, #tpu.memory_space<vmem>>, vector<1x768xf32>
    %add3A_75 = vector.broadcast %get3A_74 : vector<1x768xf32> to vector<144x768xf32>
    %add3A_76 = arith.addf %dot_general3A_71, %add3A_75 : vector<144x768xf32>
    %get3A_77 = arith.constant 1 : index
    %get3A_78 = arith.constant 0 : index
    %get3A_79 = vector.load %arg8[%get3A_77, %get3A_78] : memref<145x768xf32, #tpu.memory_space<vmem>>, vector<144x768xf32>
    %add3A_80 = arith.addf %add3A_76, %get3A_79 : vector<144x768xf32>
    %add3A_81 = vector.broadcast %get3A_4 : vector<1x768xf32> to vector<144x768xf32>
    %add3A_82 = arith.addf %add3A_80, %add3A_81 : vector<144x768xf32>
    %get3A_83 = arith.constant 0 : index
    %get3A_84 = arith.constant 0 : index
    %get3A_85 = vector.load %arg7[%get3A_83, %get3A_84] : memref<1x768xf32, #tpu.memory_space<vmem>>, vector<1x768xf32>
    %get3A_86 = arith.constant 0 : index
    %get3A_87 = arith.constant 0 : index
    %get3A_88 = vector.load %arg8[%get3A_86, %get3A_87] : memref<145x768xf32, #tpu.memory_space<vmem>>, vector<1x768xf32>
    %add3A_89 = arith.addf %get3A_85, %get3A_88 : vector<1x768xf32>
    %add3A_90 = arith.addf %add3A_89, %get3A_4 : vector<1x768xf32>
    %swap3A_91 = arith.constant 0 : index
    %swap3A_92 = arith.constant 40 : index
    %swap3A_93 = arith.constant 0 : index
    %swap3A_94 = vector.load %arg13[%swap3A_91, %swap3A_92, %swap3A_93] : memref<1x185x768xf32, #tpu.memory_space<vmem>>, vector<1x1x768xf32>
    %swap3A_95 = vector.shape_cast %swap3A_94 : vector<1x1x768xf32> to vector<1x768xf32>
    %swap3A_96 = vector.shape_cast %add3A_90 : vector<1x768xf32> to vector<1x1x768xf32>
    tpu.vector_store %arg13[%swap3A_91, %swap3A_92, %swap3A_93], %swap3A_96 {strides = array<i32>} : memref<1x185x768xf32, #tpu.memory_space<vmem>>, vector<1x1x768xf32>,
    %swap3A_97 = arith.constant 0 : index
    %swap3A_98 = arith.constant 41 : index
    %swap3A_99 = arith.constant 0 : index
    %swap3A_100 = vector.load %arg13[%swap3A_97, %swap3A_98, %swap3A_99] : memref<1x185x768xf32, #tpu.memory_space<vmem>>, vector<1x144x768xf32>
    %swap3A_101 = vector.shape_cast %swap3A_100 : vector<1x144x768xf32> to vector<144x768xf32>
    %swap3A_102 = vector.shape_cast %add3A_82 : vector<144x768xf32> to vector<1x144x768xf32>
    tpu.vector_store %arg13[%swap3A_97, %swap3A_98, %swap3A_99], %swap3A_102 {strides = array<i32>} : memref<1x185x768xf32, #tpu.memory_space<vmem>>, vector<1x144x768xf32>,
    return
  }
  func.func @transform_0(%arg0: i32) -> (i32, i32) {
    %c0_i32 = arith.constant 0 : i32
    %c0_i32_0 = arith.constant 0 : i32
    return %arg0, %c0_i32 : i32, i32
  }
  func.func @transform_1(%arg0: i32) -> (i32, i32, i32) {
    %c0_i32 = arith.constant 0 : i32
    %c0_i32_0 = arith.constant 0 : i32
    %c0_i32_1 = arith.constant 0 : i32
    return %arg0, %c0_i32, %c0_i32_0 : i32, i32, i32
  }
  func.func @transform_2(%arg0: i32) -> (i32, i32) {
    %c0_i32 = arith.constant 0 : i32
    %c0_i32_0 = arith.constant 0 : i32
    %c0_i32_1 = arith.constant 0 : i32
    return %c0_i32, %c0_i32_0 : i32, i32
  }
  func.func @transform_3(%arg0: i32) -> (i32, i32) {
    %c0_i32 = arith.constant 0 : i32
    %c0_i32_0 = arith.constant 0 : i32
    %c0_i32_1 = arith.constant 0 : i32
    return %c0_i32, %c0_i32_0 : i32, i32
  }
  func.func @transform_4(%arg0: i32) -> (i32, i32) {
    %c0_i32 = arith.constant 0 : i32
    %c0_i32_0 = arith.constant 0 : i32
    %c0_i32_1 = arith.constant 0 : i32
    return %c0_i32, %c0_i32_0 : i32, i32
  }
  func.func @transform_5(%arg0: i32) -> (i32, i32) {
    %c0_i32 = arith.constant 0 : i32
    %c0_i32_0 = arith.constant 0 : i32
    %c0_i32_1 = arith.constant 0 : i32
    return %c0_i32, %c0_i32_0 : i32, i32
  }
  func.func @transform_6(%arg0: i32) -> (i32, i32) {
    %c0_i32 = arith.constant 0 : i32
    %c0_i32_0 = arith.constant 0 : i32
    %c0_i32_1 = arith.constant 0 : i32
    return %c0_i32, %c0_i32_0 : i32, i32
  }
  func.func @transform_7(%arg0: i32) -> (i32, i32) {
    %c0_i32 = arith.constant 0 : i32
    %c0_i32_0 = arith.constant 0 : i32
    %c0_i32_1 = arith.constant 0 : i32
    return %c0_i32, %c0_i32_0 : i32, i32
  }
  func.func @transform_8(%arg0: i32) -> (i32, i32) {
    %c0_i32 = arith.constant 0 : i32
    %c0_i32_0 = arith.constant 0 : i32
    %c0_i32_1 = arith.constant 0 : i32
    return %c0_i32, %c0_i32_0 : i32, i32
  }
  func.func @transform_9(%arg0: i32) -> (i32, i32, i32, i32) {
    %c0_i32 = arith.constant 0 : i32
    %c0_i32_0 = arith.constant 0 : i32
    %c0_i32_1 = arith.constant 0 : i32
    %c0_i32_2 = arith.constant 0 : i32
    return %arg0, %c0_i32, %c0_i32_0, %c0_i32_1 : i32, i32, i32, i32
  }
  func.func @transform_10(%arg0: i32) -> (i32, i32) {
    %c0_i32 = arith.constant 0 : i32
    %c0_i32_0 = arith.constant 0 : i32
    %c0_i32_1 = arith.constant 0 : i32
    return %c0_i32, %c0_i32_0 : i32, i32
  }
  func.func @transform_11(%arg0: i32) -> (i32, i32) {
    %c0_i32 = arith.constant 0 : i32
    %c0_i32_0 = arith.constant 0 : i32
    %c0_i32_1 = arith.constant 0 : i32
    return %c0_i32, %c0_i32_0 : i32, i32
  }
  func.func @transform_12(%arg0: i32) -> (i32, i32, i32) {
    %c0_i32 = arith.constant 0 : i32
    %c0_i32_0 = arith.constant 0 : i32
    %c0_i32_1 = arith.constant 0 : i32
    return %arg0, %c0_i32, %c0_i32_0 : i32, i32, i32
  }
}

</mosaic_0001>

<sc_bundles>
// kernel: kernel.4.cloned.1.call-start
scs
__scs_entry_jumppad:
0x0: {  	(pc) =	sbr.rel $0x88, $3  }
0x1: {  	(tag) =	ssettag $0x0;
	lr =	simm.s32 $0x1  }
0x2: {  	[smem:$0x3F93] =	sst lr;
	_ =	strace $0xD0000000  }
0x3: {  	_ = 	snop  }
0x4: {  	_ = 	snop  }
0x5: {  	_ = 	snop  }
0x6: {  	_ = 	snop  }
0x7: {  	_ = 	snop  }
__scs_overlays_trampoline_lowered:
0x8: {  	[smem:$0x3FA2] =	sst s0  }
0x9: {  	[smem:$0x3FA3] =	sst s1  }
0xa: {  	[smem:$0x3FA4] =	sst s2  }
0xb: {  	[smem:$0x3FA5] =	sst s3  }
0xc: {  	[smem:$0x3FA6] =	sst s4  }
0xd: {  	[smem:$0x3FA7] =	sst s5  }
0xe: {  	[smem:$0x3FA8] =	sst s6  }
0xf: {  	[smem:$0x3FA9] =	sst s7  }
0x10: {  	[smem:$0x3FAA] =	sst s8  }
0x11: {  	[smem:$0x3FAB] =	sst s9;
	s0 =	simm.s32 @!p0 $0x0  }
0x12: {  	s1 =	sld [smem:$0x3F91];
	s0 =	simm.s32 @p0 $0x1  }
0x13: {  	[smem:$0x3FAC] =	sst s0;
	s0 =	simm.s32 @!p1 $0x0  }
0x14: {  	s2 =	sld [smem:$0x3F90];
	s0 =	simm.s32 @p1 $0x1  }
0x15: {  	[smem:$0x3FAD] =	sst s0;
	s0 =	simm.s32 @!p2 $0x0  }
0x16: {  	s3 =	sld [smem:$0x3FDB];
	s0 =	simm.s32 @p2 $0x1  }
0x17: {  	s4 =	simm.s32 $0x1BF5;
	[smem:$0x3FAF] =	sst s0  }
0x18: {  	s0 =	sld [smem:$0x3F92];
	_ =	swait.ge [sflag:s4], $0x0  }
0x19: {  	s7 =	sld [smem:$0x3F93]  }
0x1a: {  	s8 =	sadd.s32 $0xFFFFE003, lr  }
0x1b: {  	s9 =	sadd.s32 $0xFFFFFEF7, lr;
	s5 =	simm.s32 $0xFFFFFFFF;
	p2 =	slt.u32 s8, $0xFFFFF086  }
0x1c: {  	p1 =	slt.u32 s9, $0xF7A;
	s5 =	simm.s32 @!p2 $0x0  }
0x1d: {  	s5 =	simm.s32 @p1 $0x1;
	p0 =	seq.s32 s7, s2  }
0x1e: {  	s7 =	smul.u32 @!p0 $0xF7A, s2;
	p2 =	seq.s32 @!p0 s5, $0x0  }
0x1f: {  	s9 =	smul.u32 $0xF7A, s1;
	s8 =	simm.s32 @!p0 $0x1BF5;
	p2 =	por !p2, p0  }
0x20: {  	[sflag:s8] =	ssyncset.s32 @!p0 $0xFFFFF086;
	s6 =	sadd.s32 @!p0 s3, s7;
	s7 =	simm.s32 @!p0 $0x108  }
0x21: {  	s3 =	sadd.s32 s3, s9;
	s6 =	sadd.s32 @!p0 $0x88, s6;
	s7 =	simm.s32 @p2 $0x1082  }
0x22: {  	[simem:s7], [sflag:s8] =	dma.local @!p0 [hbm:s6], $0xF7A  }
0x23: {  	s9 =	sor.u32 $0xD0000000, s2;
	s6 =	simm.s32 $0x108;
	_ =	swait.ge @!p0 [sflag:s8], $0x0  }
0x24: {  	s3 =	sadd.s32 $0x88, s3;
	s6 =	simm.s32 @!p1 $0x1082;
	[sflag:s4] =	ssyncset.s32 $0xFFFFF086  }
0x25: {  	[simem:s6], [sflag:s4] =	dma.local [hbm:s3], $0xF7A  }
0x26: {  	[smem:$0x3F93] =	sst s1;
	(tag) =	ssettag s2;
	_ =	strace s9  }
0x27: {  	s1 =	sld [smem:$0x3FA3]  }
0x28: {  	s2 =	sld [smem:$0x3FA4]  }
0x29: {  	s4 =	sld [smem:$0x3FA6]  }
0x2a: {  	p0 =	seq.s32 s5, $0x0;
	s5 =	sld [smem:$0x3FA7]  }
0x2b: {  	s6 =	sld [smem:$0x3FA8]  }
0x2c: {  	s7 =	sld [smem:$0x3FA9]  }
0x2d: {  	s3 =	simm.s32 $0x108;
	s8 =	sld [smem:$0x3FAA]  }
0x2e: {  	s3 =	simm.s32 @!p0 $0x1082;
	s9 =	sld [smem:$0x3FAB]  }
0x2f: {  	lr =	sadd.s32 s0, s3;
	s0 =	sld [smem:$0x3FA2]  }
0x30: {  	s3 =	sld [smem:$0x3FA5]  }
0x31: {  	[smem:$0x3FAE] =	sst s10  }
0x32: {  	s10 =	sld [smem:$0x3FAC];
	_ =	sdelay $0x3  }
0x33: {  	p0 =	seq.s32 s10, $0x1;
	s10 =	sld [smem:$0x3FAE];
	_ =	sdelay $0x3  }
0x34: {  	[smem:$0x3FAE] =	sst s10  }
0x35: {  	s10 =	sld [smem:$0x3FAD];
	_ =	sdelay $0x3  }
0x36: {  	p1 =	seq.s32 s10, $0x1;
	s10 =	sld [smem:$0x3FAE];
	_ =	sdelay $0x3  }
0x37: {  	[smem:$0x3FAE] =	sst s10  }
0x38: {  	s10 =	sld [smem:$0x3FAF]  }
0x39: {  	_ = 	snop;
	(pc) =	sbr.ind lr, $3  }
0x3a: {  	_ = 	snop  }
0x3b: {  	_ = 	snop  }
0x3c: {  	p2 =	seq.s32 s10, $0x1;
	s10 =	sld [smem:$0x3FAE]  }
0x3d: {  	_ =	shalt  }
0x3e: {  	_ =	shalt  }
0x3f: {  	_ =	shalt  }
0x40: {  	_ =	shalt  }
0x41: {  	_ =	shalt  }
0x42: {  	_ =	shalt  }
0x43: {  	_ =	shalt  }
0x44: {  	_ =	shalt  }
0x45: {  	_ =	shalt  }
0x46: {  	_ =	shalt  }
0x47: {  	_ =	shalt  }
0x48: {  	_ =	shalt  }
0x49: {  	_ =	shalt  }
0x4a: {  	_ =	shalt  }
0x4b: {  	_ =	shalt  }
0x4c: {  	_ =	shalt  }
0x4d: {  	_ =	shalt  }
0x4e: {  	_ =	shalt  }
0x4f: {  	_ =	shalt  }
0x50: {  	_ =	shalt  }
0x51: {  	_ =	shalt  }
0x52: {  	_ =	shalt  }
0x53: {  	_ =	shalt  }
0x54: {  	_ =	shalt  }
0x55: {  	_ =	shalt  }
0x56: {  	_ =	shalt  }
0x57: {  	_ =	shalt  }
0x58: {  	_ =	shalt  }
0x59: {  	_ =	shalt  }
0x5a: {  	_ =	shalt  }
0x5b: {  	_ =	shalt  }
0x5c: {  	_ =	shalt  }
0x5d: {  	_ =	shalt  }
0x5e: {  	_ =	shalt  }
0x5f: {  	_ =	shalt  }
0x60: {  	_ =	shalt  }
0x61: {  	_ =	shalt  }
0x62: {  	_ =	shalt  }
0x63: {  	_ =	shalt  }
0x64: {  	_ =	shalt  }
0x65: {  	_ =	shalt  }
0x66: {  	_ =	shalt  }
0x67: {  	_ =	shalt  }
0x68: {  	_ =	shalt  }
0x69: {  	_ =	shalt  }
0x6a: {  	_ =	shalt  }
0x6b: {  	_ =	shalt  }
0x6c: {  	_ =	shalt  }
0x6d: {  	_ =	shalt  }
0x6e: {  	_ =	shalt  }
0x6f: {  	_ =	shalt  }
0x70: {  	_ =	shalt  }
0x71: {  	_ =	shalt  }
0x72: {  	_ =	shalt  }
0x73: {  	_ =	shalt  }
0x74: {  	_ =	shalt  }
0x75: {  	_ =	shalt  }
0x76: {  	_ =	shalt  }
0x77: {  	_ =	shalt  }
0x78: {  	_ =	shalt  }
0x79: {  	_ =	shalt  }
0x7a: {  	_ =	shalt  }
0x7b: {  	_ =	shalt  }
0x7c: {  	_ =	shalt  }
0x7d: {  	_ =	shalt  }
0x7e: {  	_ =	shalt  }
0x7f: {  	_ =	shalt  }
0x80: {  	_ =	shalt  }
0x81: {  	_ =	shalt  }
0x82: {  	_ =	shalt  }
0x83: {  	_ =	shalt  }
0x84: {  	_ =	shalt  }
0x85: {  	_ =	shalt  }
0x86: {  	_ =	shalt  }
0x87: {  	_ =	shalt  }
.Lfunc_end0:
.L_simem_size_0:
called_computation_lowered:
.L_overlay_start_0:
0x88: {  	s2 =	sld [smem:$0x3FD9]  }
0x89: {  	s3 =	sld [smem:$0x3FFE];
	_ =	sdelay $0x1  }
0x8a: {  	s1 =	srdreg.scid  }
0x8b: {  	s0 =	sand.u32 $0x1, s1  }
0x8c: {  	s14 =	sshll.u32 s0, $0xA;
	s2 =	sadd.s32 s3, s2  }
0x8d: {  	s2 =	sadd.s32 s2, s14  }
0x8e: {  	[smem:$0x3FBA] =	sst s2  }
0x8f: {  	_ = 	snop  }
0x90: {  	s2 =	sld [smem:$0x3FD0];
	_ =	sdelay $0x2  }
0x91: {  	s4 =	simm.s32 $0xA;
	s5 =	simm.s32 $0x10;
	s15 =	sld [smem:$0x3FC5]  }
0x92: {  	[smem:s5], [sflag:s4] =	dma.local [hbm:s2], $0x1  }
0x93: {  	_ =	swait.eq [sflag:s4], $0x1  }
0x94: {  	[sflag:s4] =	ssyncset.done $0x0  }
0x95: {  	[sflag:s4] =	ssyncadd.s32 $0xFFFFFFFF  }
0x96: {  	s16 =	sld [smem:$0x10];
	(tm) =	ssettm $0x1  }
0x97: {  	s17 =	sld [smem:$0x3FFB];
	_ =	sdelay $0x3  }
0x98: {  	_ =	strace s17  }
0x99: {  	s4 =	sld [smem:$0x3FFC];
	_ =	sdelay $0x3  }
0x9a: {  	_ =	strace s4  }
0x9b: {  	s4 =	sld [smem:$0x3FFD];
	_ =	sdelay $0x3  }
0x9c: {  	_ =	strace s4  }
0x9d: {  	_ =	strace $0x8FFFFFFF  }
0x9e: {  	s18 =	sld [smem:$0x3FDB];
	_ =	sdelay $0x1  }
0x9f: {  	s19 =	simm.s32 $_scs_section_size  }
0xa0: {  	s6 =	simm.s32 $_size__tile_overlayer_lowered;
	s7 =	simm.s32 $_tile_overlayer_lowered  }
0xa1: {  	s22 =	simm.s32 $0x1BFF;
	s21 =	sshll.u32 s7, $0x1;
	s4 =	sadd.s32 s19, s18  }
0xa2: {  	s8 =	simm.s32 $0x0;
	s20 =	sshll.u32 s6, $0x1;
	s6 =	sadd.s32 s21, s4  }
0xa3: {  	[timem:s8], [sflag:s22] =	dma.local [hbm:s6], s20  }
0xa4: {  	_ =	swait.ge [sflag:s22], s20  }
0xa5: {  	s5 =	ssub.s32 $0x0, s20;
	[sflag:s22] =	ssyncset.done $0x0  }
0xa6: {  	[sflag:s22] =	ssyncadd.s32 s5;
	_ =	sdelay $0x1  }
0xa7: {  	s23 =	simm.s32 $0x1B8B  }
0xa8: {  	_ =	swait.ge [sflag:s23], $0x1  }
0xa9: {  	[sflag:s23] =	ssyncset.done $0x0  }
0xaa: {  	s25 =	simm.s32 $0x1B8E;
	s24 =	sld [smem:$0x3FFE];
	[sflag:s23] =	ssyncadd.s32 $0xFFFFFFFF  }
0xab: {  	s26 =	simm.s32 $execute0_lowered;
	[smem:$0x3FD2] =	sst s25  }
0xac: {  	s6 =	sshll.u32 s26, $0x1;
	_ =	strace $0x80000046;
	[dreg:$0x1] =	wrdreg $0xFFFFFFFF  }
0xad: {  	s28 =	simm.s32 $_size_execute0_lowered;
	s4 =	sadd.s32 s4, s6;
	[dreg:$0x0] =	wrdreg $0x0  }
0xae: {  	s6 =	sshll.u32 s28, $0x1;
	[dreg:$0x2] =	wrdreg s4  }
0xaf: {  	[dreg:$0x3] =	wrdreg s6  }
0xb0: {  	[dreg:$0x4] =	wrdreg $0xC0  }
0xb1: {  	_ =	task [dreg:s8], $0x5FFFF  }
0xb2: {  	[dreg:$0x1] =	wrdreg $0xFFFFFFFF  }
0xb3: {  	[dreg:$0x0] =	wrdreg $0x60  }
0xb4: {  	[dreg:$0x2] =	wrdreg s15  }
0xb5: {  	[dreg:$0x3] =	wrdreg s24  }
0xb6: {  	[dreg:$0x4] =	wrdreg s16  }
0xb7: {  	[dreg:$0x5] =	wrdreg $0x9  }
0xb8: {  	_ =	task.clear_ibuf [dreg:s8], $0x6FFFF;
	_ =	strace $0x90000046  }
0xb9: {  	s29 =	simm.s32 $0x9;
	_ =	strace $0x80000048  }
0xba: {  	_ =	swait.ge [sflag:s29], $0x1  }
0xbb: {  	[sflag:s29] =	ssyncadd.s32 $0xFFFFFFFF  }
0xbc: {  	_ =	strace $0x90000048  }
0xbd: {  	_ =	sfence  }
0xbe: {  	s30 =	sld [smem:$0x0];
	_ =	sdelay $0x2  }
0xbf: {  	s31 =	sshll.u32 s1, $0xD;
	s1 =	sshrl.u32 s1, $0x2  }
0xc0: {  	s3 =	sand.u32 $0x4000, s31;
	s1 =	sadd.s32 s1, s30  }
0xc1: {  	s0 =	sor.u32 s3, s0;
	s1 =	sshll.u32 s1, $0x11  }
0xc2: {  	s0 =	sor.u32 s1, s0  }
0xc3: {  	s0 =	sadd.s32 $0x8F2B, s0  }
0xc4: {  	[sflag:s0] =	ssyncadd.remote.s32 $0x1  }
0xc5: {  	_ =	sfence.sel $0xFFFF  }
0xc6: {  	[dreg:$0x0] =	wrdreg $0xFFFFFFFF;
	(pc) =	sbr.abs _section_cstart, $3  }
0xc7: {  	[dreg:$0x1] =	wrdreg $0xFFFFFFFF  }
0xc8: {  	_ =	task.clear_ibuf [dreg:s8], $0x2FFFF;
	_ =	strace $0x9FFFFFFF  }
0xc9: {  	(tm) =	ssettm $0x7FFFFFFF  }
tec
execute0_lowered:
.L_overlay_start_1:
0x0: {  	(tag) =	ssettag $0x1  }
0x1: {  	s1 =	rddreg [dreg:$0x0];
	s2 =	srdreg.scid  }
0x2: {  	s0 =	stileid.u32;
	s4 =	rddreg [dreg:$0x1]  }
0x3: {  	s7 =	rddreg [dreg:$0x2];
	s3 =	simm.s32 $0x0;
	s10 =	simm.s32 $0x80  }
0x4: {  	s11 =	simm.s32 $0x880;
	s12 =	simm.s32 $0x1080;
	s13 =	simm.s32 $0x1880  }
0x5: {  	s14 =	simm.s32 $0x2080;
	s15 =	simm.s32 $0x2880;
	s16 =	simm.s32 $0x3080  }
0x6: {  	s17 =	simm.s32 $0x3880;
	s18 =	simm.s32 $0x4080;
	s19 =	simm.s32 $0x4880  }
0x7: {  	s20 =	simm.s32 $0x5080;
	s21 =	simm.s32 $0x5880;
	s22 =	simm.s32 $0x6080  }
0x8: {  	s23 =	simm.s32 $0x6880;
	s5 =	sand.u32 $0x1, s2;
	s30 =	sshll.u32 s0, $0x1  }
0x9: {  	s24 =	simm.s32 $0x7080;
	s2 =	rddreg [dreg:$0x3];
	s6 =	sor.u32 s5, s30  }
0xa: {  	s25 =	simm.s32 $0x1;
	[smem:$0x7FF] =	sst s3;
	s8 =	smul.u32 $0x5, s6  }
0xb: {  	s5 =	ssub.s32 $0x2, s5;
	_ =	strace $0x80000047;
	s9 =	smul.u32 $0xF00, s6  }
0xc: {  	v2 =	vlaneseq.u32;
	s31 =	sshrl.u32 s5, $0x1;
	s6 =	sadd.s32 $0x200, s1;
	s4 =	sadd.s32 s8, s4  }
0xd: {  	vm0 =	vmmov $0xffff;
	v1 =	vshrl.u32 v2, $0x3;
	s8 =	ssub.s32 s5, s31;
	s5 =	sadd.s32 $0x100, s1;
	s7 =	sadd.s32 s7, s9  }
0xe: {  	v0 =	vand.u32 $0x7, v2;
	v2 =	vor.u32 $0x8, v2;
	v1 =	vmul.u32 $0x8, v1;
	s9 =	simm.s32 $0x2;
	s4 =	sadd.s32 $0x1C00, s4;
	s8 =	smax.u32 s8, $0x1  }
.LBB2_1:
0xf: {  	[tilespmem:s3], [sflag:$0x2] =	stream.linear.gather [hbm4b:s4+s3], $0x28, $0x38;
	[tilespmem:$0x7880] =	vst v63  }
0x10: {  	_ =	swait.ge [sflag:s9], $0x28  }
0x11: {  	[sflag:s9] =	ssyncset.done $0x0  }
0x12: {  	[sflag:s9] =	ssyncadd.s32 $0xFFFFFFD8  }
0x13: {  	v3 =	vld [tilespmem:$0x0];
	_ =	sdelay $0x4  }
0x14: {  	v4 =	vshrl.u32 v3, $0x3  }
0x15: {  	v4 =	vmul.u32 $0x30, v4  }
0x16: {  	v3 =	vand.u32 $0x7, v3  }
0x17: {  	v3 =	vor.u32 v3, v4  }
0x18: {  	v4 =	vperm.xlane v3, v0;
	_ =	sdelay $0x1  }
0x19: {  	v4 =	vadd.s32 v1, v4;
	_ =	sdelay $0x3  }
0x1a: {  	v3 =	vperm.xlane v3, v2  }
0x1b: {  	[tilespmem:s10], [sflag:$0x1] =	stream.indirect_vreg.gather [hbm4b:s1+s3], $0x80, v4, vm0, $0xb8;
	[tilespmem:$0x7880] =	vst v63  }
0x1c: {  	v3 =	vadd.s32 v1, v3  }
0x1d: {  	[tilespmem:s11], [sflag:$0x1] =	stream.indirect_vreg.gather [hbm4b:s5+s3], $0x80, v4, vm0, $0xb8;
	[tilespmem:$0x7880] =	vst v63  }
0x1e: {  	_ = 	snop  }
0x1f: {  	[tilespmem:s12], [sflag:$0x1] =	stream.indirect_vreg.gather [hbm4b:s6+s3], $0x80, v4, vm0, $0xb8;
	[tilespmem:$0x7880] =	vst v63  }
0x20: {  	_ = 	snop  }
0x21: {  	[tilespmem:s13], [sflag:$0x1] =	stream.indirect_vreg.gather [hbm4b:s1+s3], $0x80, v3, vm0, $0xb8;
	[tilespmem:$0x7880] =	vst v63  }
0x22: {  	_ = 	snop  }
0x23: {  	[tilespmem:s14], [sflag:$0x1] =	stream.indirect_vreg.gather [hbm4b:s5+s3], $0x80, v3, vm0, $0xb8;
	[tilespmem:$0x7880] =	vst v63  }
0x24: {  	_ = 	snop  }
0x25: {  	[tilespmem:s15], [sflag:$0x1] =	stream.indirect_vreg.gather [hbm4b:s6+s3], $0x80, v3, vm0, $0xb8;
	[tilespmem:$0x7880] =	vst v63  }
0x26: {  	v3 =	vld [tilespmem:$0x10];
	_ =	sdelay $0x4  }
0x27: {  	v62 =	vshrl.u32 v3, $0x3  }
0x28: {  	v4 =	vmul.u32 $0x30, v62  }
0x29: {  	v3 =	vand.u32 $0x7, v3  }
0x2a: {  	v3 =	vor.u32 v3, v4  }
0x2b: {  	v4 =	vperm.xlane v3, v0;
	_ =	sdelay $0x1  }
0x2c: {  	v4 =	vadd.s32 v1, v4;
	_ =	sdelay $0x3  }
0x2d: {  	v3 =	vperm.xlane v3, v2  }
0x2e: {  	[tilespmem:s16], [sflag:$0x1] =	stream.indirect_vreg.gather [hbm4b:s1+s3], $0x80, v4, vm0, $0xb8;
	[tilespmem:$0x7880] =	vst v63  }
0x2f: {  	v3 =	vadd.s32 v1, v3  }
0x30: {  	[tilespmem:s17], [sflag:$0x1] =	stream.indirect_vreg.gather [hbm4b:s5+s3], $0x80, v4, vm0, $0xb8;
	[tilespmem:$0x7880] =	vst v63  }
0x31: {  	_ = 	snop  }
0x32: {  	[tilespmem:s18], [sflag:$0x1] =	stream.indirect_vreg.gather [hbm4b:s6+s3], $0x80, v4, vm0, $0xb8;
	[tilespmem:$0x7880] =	vst v63  }
0x33: {  	_ = 	snop  }
0x34: {  	[tilespmem:s19], [sflag:$0x1] =	stream.indirect_vreg.gather [hbm4b:s1+s3], $0x80, v3, vm0, $0xb8;
	[tilespmem:$0x7880] =	vst v63  }
0x35: {  	_ = 	snop  }
0x36: {  	[tilespmem:s20], [sflag:$0x1] =	stream.indirect_vreg.gather [hbm4b:s5+s3], $0x80, v3, vm0, $0xb8;
	[tilespmem:$0x7880] =	vst v63  }
0x37: {  	_ = 	snop  }
0x38: {  	[tilespmem:s21], [sflag:$0x1] =	stream.indirect_vreg.gather [hbm4b:s6+s3], $0x80, v3, vm0, $0xb8;
	[tilespmem:$0x7880] =	vst v63  }
0x39: {  	v3 =	vld.msk [tilespmem:$0x20], $0xff;
	_ =	sdelay $0x4  }
0x3a: {  	v63 =	vshrl.u32 v3, $0x3  }
0x3b: {  	v4 =	vmul.u32 $0x30, v63  }
0x3c: {  	v3 =	vand.u32 $0x7, v3  }
0x3d: {  	v3 =	vor.u32 v3, v4  }
0x3e: {  	v3 =	vperm.xlane v3, v0;
	_ =	sdelay $0x1  }
0x3f: {  	v3 =	vadd.s32 v1, v3;
	_ =	sdelay $0x4  }
0x40: {  	[tilespmem:s22], [sflag:$0x1] =	stream.indirect_vreg.gather [hbm4b:s1+s3], $0x80, v3, vm0, $0xb8;
	[tilespmem:$0x7880] =	vst v63  }
0x41: {  	_ = 	snop  }
0x42: {  	[tilespmem:s23], [sflag:$0x1] =	stream.indirect_vreg.gather [hbm4b:s5+s3], $0x80, v3, vm0, $0xb8;
	[tilespmem:$0x7880] =	vst v63  }
0x43: {  	_ = 	snop  }
0x44: {  	[tilespmem:s24], [sflag:$0x1] =	stream.indirect_vreg.gather [hbm4b:s6+s3], $0x80, v3, vm0, $0xb8;
	[tilespmem:$0x7880] =	vst v63  }
0x45: {  	_ =	swait.ge [sflag:s25], $0x7800  }
0x46: {  	p0 =	sne.s32 s8, $0x1;
	[sflag:s25] =	ssyncset.done $0x0  }
.Ltmp0:
0x47: {  	[sflag:s25] =	ssyncadd.s32 $0xFFFF8800;
	(pc) =	sbr.rel @p0 .LBB2_1-.Ltmp0, $4  }
0x48: {  	[hbm4b:s7+s3] =	stream.linear.scatter [tilespmem:s10], [sflag:$0x2], $0x7800, $0x38;
	[tilespmem:$0x7880] =	vst v63  }
0x49: {  	_ =	swait.ge [sflag:s9], $0x7800  }
0x4a: {  	[sflag:s9] =	ssyncset.done $0x0  }
0x4b: {  	s8 =	sadd.s32 $0xFFFFFFFF, s8;
	[sflag:s9] =	ssyncadd.s32 $0xFFFF8800  }
0x4c: {  	_ =	sfence.sel $0x180000  }
0x4d: {  	[bflag:$0x0] =	sbarrier.arrive $0xFFFF  }
0x4e: {  	p0 =	sne.s32 s0, $0x0;
	_ =	strace $0x90000047  }
0x4f: {  	s0 =	sadd.s32 @!p0 $0x100000, s2;
	[bflag:$0x2] =	sbarrier.arrive $0xFFFF  }
0x50: {  	[sflag:s0] =	ssyncadd.tile.s32 @!p0 $0x1;
	_ =	shalt  }
.Lfunc_end2:
_tile_overlayer_lowered:
.L_overlay_start_2:
0x51: {  	(tag) =	ssettag $0x2  }
0x52: {  	s0 =	rddreg [dreg:$0x0];
	s2 =	stileid.u32  }
0x53: {  	s1 =	rddreg [dreg:$0x1];
	p0 =	sne.s32 s2, $0x0  }
0x54: {  	s3 =	rddreg [dreg:$0x2];
	[bflag:$0x3] =	sbarrier.arrive $0xFFFF;
	s2 =	simm.s32 @!p0 $0x1C02  }
0x55: {  	[timem:s3], [sflag:s2] =	dma.local @!p0 [hbm:s0], s1  }
0x56: {  	s0 =	simm.s32 @!p0 $0x2  }
0x57: {  	_ =	swait.ge @!p0 [sflag:s0], s1  }
0x58: {  	s1 =	ssub.s32 @!p0 $0x0, s1;
	[sflag:s0] =	ssyncset.done @!p0 $0x0  }
0x59: {  	[sflag:s0] =	ssyncadd.s32 @!p0 s1  }
0x5a: {  	[bflag:$0x3] =	sbarrier.arrive $0xFFFF  }
0x5b: {  	_ =	shalt  }

</sc_bundles>
